<compile_context>
chip_gen: v7x
topology: tpu7x:2x2x1
jax: 0.10.2.dev20260603
libtpu: 0.0.44.dev20260713+nightly
codegen_flags: <defaults>
</compile_context>

<pallas_src>
import functools

import jax
import jax.numpy as jnp
from jax import lax
from jax.experimental import pallas as pl
from jax.experimental.pallas import tpu as pltpu
from jax.experimental.pallas import tpu_sc as plsc

_N = 64
_INV_TEMP = 1.0 / (1.0 + 1e-10)
_EPS = 1e-10
_L = 16
_NV = _N // _L


def _router_body(w_hbm, out_hbm, w_v, out_v):
    pltpu.sync_copy(w_hbm, w_v)
    vs = [w_v[pl.ds(i * _L, _L)] for i in range(_NV)]

    mvec = jnp.maximum(jnp.maximum(vs[0], vs[1]), jnp.maximum(vs[2], vs[3]))
    m = jnp.max(mvec)

    evec = jnp.exp((vs[0] - m) * jnp.float32(_INV_TEMP))
    for v in vs[1:]:
        evec = evec + jnp.exp((v - m) * jnp.float32(_INV_TEMP))
    s = jnp.sum(evec)

    iota = lax.iota(jnp.int32, _L)
    cvec = jnp.full((_L,), _N, jnp.int32)
    for i, v in enumerate(vs):
        cvec = jnp.minimum(
            cvec, jnp.where(v == m, iota + jnp.int32(i * _L), jnp.int32(_N))
        )
    first = jnp.min(cvec)

    ones = jnp.ones((_L,), jnp.float32)
    denom = jnp.full((_L,), 1.0, jnp.float32) + jnp.float32(_EPS) * s
    val = ones / denom
    zero = jnp.zeros((_L,), jnp.float32)
    for i in range(_NV):
        idxs = iota + jnp.int32(i * _L)
        out_v[pl.ds(i * _L, _L)] = jnp.where(idxs == first, val, zero)

    pltpu.sync_copy(out_v, out_hbm)


_router = functools.partial(
    pl.kernel,
    mesh=plsc.VectorSubcoreMesh(
        core_axis_name="c", subcore_axis_name="s", num_cores=1, num_subcores=1
    ),
    out_type=jax.ShapeDtypeStruct((_N,), jnp.float32),
    scratch_types=[
        pltpu.VMEM((_N,), jnp.float32),
        pltpu.VMEM((_N,), jnp.float32),
    ],
    compiler_params=pltpu.CompilerParams(needs_layout_passes=False),
)(_router_body)


def kernel(weight):
    return _router(weight)

# --- scband reference (transcript-rebuilt; emitter-appended) ---
"""Pipeline reference for scband-router-72206990180984 (READ-ONLY COPY).

The authoritative reference and input builder live on the scoring server;
editing this copy changes nothing except your own understanding.
"""

import jax, jax.numpy as jnp
import numpy as np

NUM_CLUSTERS = 64
INV_TEMP = 1.0 / (1.0 + 1e-10)
EPS = 1e-10

def setup_inputs(seed: int = 0) -> dict:
    key = jax.random.key(seed)
    # Learned parameter: original init is zeros, but we use small random values so
    # argmax/top-2 gating is non-degenerate for numeric comparison.
    weight = jax.random.normal(key, (NUM_CLUSTERS,), dtype=jnp.float32) * 0.1
    return {"weight": weight}

def _get_top_route(routes):
    idx = jnp.argmax(routes, axis=-1)
    one_hot = jax.nn.one_hot(idx, routes.shape[-1], dtype=routes.dtype)
    return routes * one_hot

def reference(weight) -> jnp.ndarray:
    # Eval-mode forward of Router.moe (training=False => no noise, top-1 branch of top2_gating)
    route_probs = jax.nn.softmax(weight * INV_TEMP, axis=-1)
    top_route = _get_top_route(route_probs)
    routes = top_route / (jnp.sum(top_route) + EPS)
    return routes

if __name__ == "__main__":
    import jax
    _d = setup_inputs()
    print(jax.jit(kernel)(*tuple(_d.values())))

</pallas_src>

<mosaic_0001>
#map = affine_map<(d0, d1) -> (0)>
module attributes {stable_mosaic.version = 14 : i64} {
  func.func @_router_body(%arg0: i32, %arg1: i32, %arg2: memref<64xf32, #tpu.memory_space<hbm>>, %arg3: memref<64xf32, #tpu.memory_space<hbm>>, %arg4: memref<64xf32, #tpu.memory_space<vmem>>, %arg5: memref<64xf32, #tpu.memory_space<vmem>>) attributes {dimension_semantics = [#tpu.dimension_semantics<core_parallel>, #tpu.dimension_semantics<subcore_parallel>], iteration_bounds = array<i64: 1, 1>, scalar_prefetch = 0 : i64, scratch_operands = 2 : i64, tpu.core_type = #tpu.core_type<sc_vector_subcore>, window_params = [{transform_indices = #map}, {transform_indices = #map}]} {
    "tpu.region"() ({
      %run_scoped3A = tpu.sem_alloc : memref<!tpu.dma_semaphore, #tpu.memory_space<semaphore_mem>>
      tpu.enqueue_dma source(%arg2 : memref<64xf32, #tpu.memory_space<hbm>>) target(%arg4 : memref<64xf32, #tpu.memory_space<vmem>>) target_semaphore(%run_scoped3A : memref<!tpu.dma_semaphore, #tpu.memory_space<semaphore_mem>>)
      tpu.wait_dma2 semaphore(%run_scoped3A : memref<!tpu.dma_semaphore, #tpu.memory_space<semaphore_mem>>) src(%arg2 : memref<64xf32, #tpu.memory_space<hbm>>) dst(%arg4 : memref<64xf32, #tpu.memory_space<vmem>>)
      tpu.yield
    }) : () -> ()
    %get3A = arith.constant 0 : index
    %get3A_0 = tpu.vector_load %arg4[%get3A] {strides = array<i32>} : memref<64xf32, #tpu.memory_space<vmem>>, vector<16xf32>,
    %get3A_1 = arith.constant 16 : index
    %get3A_2 = tpu.vector_load %arg4[%get3A_1] {strides = array<i32>} : memref<64xf32, #tpu.memory_space<vmem>>, vector<16xf32>,
    %get3A_3 = arith.constant 32 : index
    %get3A_4 = tpu.vector_load %arg4[%get3A_3] {strides = array<i32>} : memref<64xf32, #tpu.memory_space<vmem>>, vector<16xf32>,
    %get3A_5 = arith.constant 48 : index
    %get3A_6 = tpu.vector_load %arg4[%get3A_5] {strides = array<i32>} : memref<64xf32, #tpu.memory_space<vmem>>, vector<16xf32>,
    %max3A = arith.maximumf %get3A_0, %get3A_2 : vector<16xf32>
    %max3A_7 = arith.maximumf %get3A_4, %get3A_6 : vector<16xf32>
    %max3A_8 = arith.maximumf %max3A, %max3A_7 : vector<16xf32>
    %reduce_max3A = arith.constant true
    %reduce_max3A_9 = vector.broadcast %reduce_max3A : i1 to vector<16xi1>
    %reduce_max3A_10 = tpu.scan <max>, %max3A_8 masked %reduce_max3A_9 : vector<16xf32>, vector<16xi1> -> vector<16xf32>
    %reduce_max3A_11 = vector.extract %reduce_max3A_10[15] : f32 from vector<16xf32>
    %sub3A = vector.broadcast %reduce_max3A_11 : f32 to vector<16xf32>
    %sub3A_12 = arith.subf %get3A_0, %sub3A : vector<16xf32>
    %mul3A = arith.constant 1.000000e+00 : f32
    %mul3A_13 = vector.broadcast %mul3A : f32 to vector<16xf32>
    %mul3A_14 = arith.mulf %sub3A_12, %mul3A_13 : vector<16xf32>
    %exp3A = math.exp %mul3A_14 : vector<16xf32>
    %sub3A_15 = vector.broadcast %reduce_max3A_11 : f32 to vector<16xf32>
    %sub3A_16 = arith.subf %get3A_2, %sub3A_15 : vector<16xf32>
    %mul3A_17 = arith.constant 1.000000e+00 : f32
    %mul3A_18 = vector.broadcast %mul3A_17 : f32 to vector<16xf32>
    %mul3A_19 = arith.mulf %sub3A_16, %mul3A_18 : vector<16xf32>
    %exp3A_20 = math.exp %mul3A_19 : vector<16xf32>
    %add3A = arith.addf %exp3A, %exp3A_20 : vector<16xf32>
    %sub3A_21 = vector.broadcast %reduce_max3A_11 : f32 to vector<16xf32>
    %sub3A_22 = arith.subf %get3A_4, %sub3A_21 : vector<16xf32>
    %mul3A_23 = arith.constant 1.000000e+00 : f32
    %mul3A_24 = vector.broadcast %mul3A_23 : f32 to vector<16xf32>
    %mul3A_25 = arith.mulf %sub3A_22, %mul3A_24 : vector<16xf32>
    %exp3A_26 = math.exp %mul3A_25 : vector<16xf32>
    %add3A_27 = arith.addf %add3A, %exp3A_26 : vector<16xf32>
    %sub3A_28 = vector.broadcast %reduce_max3A_11 : f32 to vector<16xf32>
    %sub3A_29 = arith.subf %get3A_6, %sub3A_28 : vector<16xf32>
    %mul3A_30 = arith.constant 1.000000e+00 : f32
    %mul3A_31 = vector.broadcast %mul3A_30 : f32 to vector<16xf32>
    %mul3A_32 = arith.mulf %sub3A_29, %mul3A_31 : vector<16xf32>
    %exp3A_33 = math.exp %mul3A_32 : vector<16xf32>
    %add3A_34 = arith.addf %add3A_27, %exp3A_33 : vector<16xf32>
    %reduce_sum3A = arith.constant true
    %reduce_sum3A_35 = vector.broadcast %reduce_sum3A : i1 to vector<16xi1>
    %reduce_sum3A_36 = tpu.scan <sum>, %add3A_34 masked %reduce_sum3A_35 : vector<16xf32>, vector<16xi1> -> vector<16xf32>
    %reduce_sum3A_37 = vector.extract %reduce_sum3A_36[15] : f32 from vector<16xf32>
    %iota3A = tpu.iota {dimensions = array<i32: 0>} : vector<16xi32>
    %broadcast_in_dim3A = arith.constant 64 : i32
    %broadcast_in_dim3A_38 = vector.broadcast %broadcast_in_dim3A : i32 to vector<16xi32>
    %eq3A = vector.broadcast %reduce_max3A_11 : f32 to vector<16xf32>
    %eq3A_39 = arith.cmpf oeq, %get3A_0, %eq3A : vector<16xf32>
    %add3A_40 = arith.constant 0 : i32
    %add3A_41 = vector.broadcast %add3A_40 : i32 to vector<16xi32>
    %add3A_42 = arith.addi %iota3A, %add3A_41 : vector<16xi32>
    %jit3A = arith.constant 64 : i32
    %broadcast_in_dim3A_43 = vector.broadcast %jit3A : i32 to vector<16xi32>
    %select_n3A = arith.select %eq3A_39, %add3A_42, %broadcast_in_dim3A_43 : vector<16xi1>, vector<16xi32>
    %min3A = arith.minsi %broadcast_in_dim3A_38, %select_n3A : vector<16xi32>
    %eq3A_44 = vector.broadcast %reduce_max3A_11 : f32 to vector<16xf32>
    %eq3A_45 = arith.cmpf oeq, %get3A_2, %eq3A_44 : vector<16xf32>
    %add3A_46 = arith.constant 16 : i32
    %add3A_47 = vector.broadcast %add3A_46 : i32 to vector<16xi32>
    %add3A_48 = arith.addi %iota3A, %add3A_47 : vector<16xi32>
    %jit3A_49 = arith.constant 64 : i32
    %broadcast_in_dim3A_50 = vector.broadcast %jit3A_49 : i32 to vector<16xi32>
    %select_n3A_51 = arith.select %eq3A_45, %add3A_48, %broadcast_in_dim3A_50 : vector<16xi1>, vector<16xi32>
    %min3A_52 = arith.minsi %min3A, %select_n3A_51 : vector<16xi32>
    %eq3A_53 = vector.broadcast %reduce_max3A_11 : f32 to vector<16xf32>
    %eq3A_54 = arith.cmpf oeq, %get3A_4, %eq3A_53 : vector<16xf32>
    %add3A_55 = arith.constant 32 : i32
    %add3A_56 = vector.broadcast %add3A_55 : i32 to vector<16xi32>
    %add3A_57 = arith.addi %iota3A, %add3A_56 : vector<16xi32>
    %jit3A_58 = arith.constant 64 : i32
    %broadcast_in_dim3A_59 = vector.broadcast %jit3A_58 : i32 to vector<16xi32>
    %select_n3A_60 = arith.select %eq3A_54, %add3A_57, %broadcast_in_dim3A_59 : vector<16xi1>, vector<16xi32>
    %min3A_61 = arith.minsi %min3A_52, %select_n3A_60 : vector<16xi32>
    %eq3A_62 = vector.broadcast %reduce_max3A_11 : f32 to vector<16xf32>
    %eq3A_63 = arith.cmpf oeq, %get3A_6, %eq3A_62 : vector<16xf32>
    %add3A_64 = arith.constant 48 : i32
    %add3A_65 = vector.broadcast %add3A_64 : i32 to vector<16xi32>
    %add3A_66 = arith.addi %iota3A, %add3A_65 : vector<16xi32>
    %jit3A_67 = arith.constant 64 : i32
    %broadcast_in_dim3A_68 = vector.broadcast %jit3A_67 : i32 to vector<16xi32>
    %select_n3A_69 = arith.select %eq3A_63, %add3A_66, %broadcast_in_dim3A_68 : vector<16xi1>, vector<16xi32>
    %min3A_70 = arith.minsi %min3A_61, %select_n3A_69 : vector<16xi32>
    %reduce_min3A = arith.constant true
    %reduce_min3A_71 = vector.broadcast %reduce_min3A : i1 to vector<16xi1>
    %reduce_min3A_72 = arith.constant -2147483648 : i32
    %reduce_min3A_73 = vector.broadcast %reduce_min3A_72 : i32 to vector<16xi32>
    %reduce_min3A_74 = arith.xori %min3A_70, %reduce_min3A_73 : vector<16xi32>
    %reduce_min3A_75 = tpu.scan <min>, %reduce_min3A_74 masked %reduce_min3A_71 : vector<16xi32>, vector<16xi1> -> vector<16xi32>
    %reduce_min3A_76 = arith.xori %reduce_min3A_75, %reduce_min3A_73 : vector<16xi32>
    %reduce_min3A_77 = vector.extract %reduce_min3A_76[15] : i32 from vector<16xi32>
    %broadcast_in_dim3A_78 = arith.constant 1.000000e+00 : f32
    %broadcast_in_dim3A_79 = vector.broadcast %broadcast_in_dim3A_78 : f32 to vector<16xf32>
    %broadcast_in_dim3A_80 = arith.constant 1.000000e+00 : f32
    %broadcast_in_dim3A_81 = vector.broadcast %broadcast_in_dim3A_80 : f32 to vector<16xf32>
    %mul3A_82 = arith.constant 1.000000e-10 : f32
    %mul3A_83 = arith.mulf %mul3A_82, %reduce_sum3A_37 : f32
    %add3A_84 = vector.broadcast %mul3A_83 : f32 to vector<16xf32>
    %add3A_85 = arith.addf %broadcast_in_dim3A_81, %add3A_84 : vector<16xf32>
    %div3A = arith.divf %broadcast_in_dim3A_79, %add3A_85 : vector<16xf32>
    %broadcast_in_dim3A_86 = arith.constant 0.000000e+00 : f32
    %broadcast_in_dim3A_87 = vector.broadcast %broadcast_in_dim3A_86 : f32 to vector<16xf32>
    %add3A_88 = arith.constant 0 : i32
    %add3A_89 = vector.broadcast %add3A_88 : i32 to vector<16xi32>
    %add3A_90 = arith.addi %iota3A, %add3A_89 : vector<16xi32>
    %eq3A_91 = vector.broadcast %reduce_min3A_77 : i32 to vector<16xi32>
    %eq3A_92 = arith.cmpi eq, %add3A_90, %eq3A_91 : vector<16xi32>
    %select_n3A_93 = arith.select %eq3A_92, %div3A, %broadcast_in_dim3A_87 : vector<16xi1>, vector<16xf32>
    %swap3A = arith.constant 0 : index
    %swap3A_94 = tpu.vector_load %arg5[%swap3A] {strides = array<i32>} : memref<64xf32, #tpu.memory_space<vmem>>, vector<16xf32>,
    tpu.vector_store %arg5[%swap3A], %select_n3A_93 {strides = array<i32>} : memref<64xf32, #tpu.memory_space<vmem>>, vector<16xf32>,
    %add3A_95 = arith.constant 16 : i32
    %add3A_96 = vector.broadcast %add3A_95 : i32 to vector<16xi32>
    %add3A_97 = arith.addi %iota3A, %add3A_96 : vector<16xi32>
    %eq3A_98 = vector.broadcast %reduce_min3A_77 : i32 to vector<16xi32>
    %eq3A_99 = arith.cmpi eq, %add3A_97, %eq3A_98 : vector<16xi32>
    %select_n3A_100 = arith.select %eq3A_99, %div3A, %broadcast_in_dim3A_87 : vector<16xi1>, vector<16xf32>
    %swap3A_101 = arith.constant 16 : index
    %swap3A_102 = tpu.vector_load %arg5[%swap3A_101] {strides = array<i32>} : memref<64xf32, #tpu.memory_space<vmem>>, vector<16xf32>,
    tpu.vector_store %arg5[%swap3A_101], %select_n3A_100 {strides = array<i32>} : memref<64xf32, #tpu.memory_space<vmem>>, vector<16xf32>,
    %add3A_103 = arith.constant 32 : i32
    %add3A_104 = vector.broadcast %add3A_103 : i32 to vector<16xi32>
    %add3A_105 = arith.addi %iota3A, %add3A_104 : vector<16xi32>
    %eq3A_106 = vector.broadcast %reduce_min3A_77 : i32 to vector<16xi32>
    %eq3A_107 = arith.cmpi eq, %add3A_105, %eq3A_106 : vector<16xi32>
    %select_n3A_108 = arith.select %eq3A_107, %div3A, %broadcast_in_dim3A_87 : vector<16xi1>, vector<16xf32>
    %swap3A_109 = arith.constant 32 : index
    %swap3A_110 = tpu.vector_load %arg5[%swap3A_109] {strides = array<i32>} : memref<64xf32, #tpu.memory_space<vmem>>, vector<16xf32>,
    tpu.vector_store %arg5[%swap3A_109], %select_n3A_108 {strides = array<i32>} : memref<64xf32, #tpu.memory_space<vmem>>, vector<16xf32>,
    %add3A_111 = arith.constant 48 : i32
    %add3A_112 = vector.broadcast %add3A_111 : i32 to vector<16xi32>
    %add3A_113 = arith.addi %iota3A, %add3A_112 : vector<16xi32>
    %eq3A_114 = vector.broadcast %reduce_min3A_77 : i32 to vector<16xi32>
    %eq3A_115 = arith.cmpi eq, %add3A_113, %eq3A_114 : vector<16xi32>
    %select_n3A_116 = arith.select %eq3A_115, %div3A, %broadcast_in_dim3A_87 : vector<16xi1>, vector<16xf32>
    %swap3A_117 = arith.constant 48 : index
    %swap3A_118 = tpu.vector_load %arg5[%swap3A_117] {strides = array<i32>} : memref<64xf32, #tpu.memory_space<vmem>>, vector<16xf32>,
    tpu.vector_store %arg5[%swap3A_117], %select_n3A_116 {strides = array<i32>} : memref<64xf32, #tpu.memory_space<vmem>>, vector<16xf32>,
    "tpu.region"() ({
      %run_scoped3A = tpu.sem_alloc : memref<!tpu.dma_semaphore, #tpu.memory_space<semaphore_mem>>
      tpu.enqueue_dma source(%arg5 : memref<64xf32, #tpu.memory_space<vmem>>) target(%arg3 : memref<64xf32, #tpu.memory_space<hbm>>) target_semaphore(%run_scoped3A : memref<!tpu.dma_semaphore, #tpu.memory_space<semaphore_mem>>)
      tpu.wait_dma2 semaphore(%run_scoped3A : memref<!tpu.dma_semaphore, #tpu.memory_space<semaphore_mem>>) src(%arg5 : memref<64xf32, #tpu.memory_space<vmem>>) dst(%arg3 : memref<64xf32, #tpu.memory_space<hbm>>)
      tpu.yield
    }) : () -> ()
    return
  }
}

</mosaic_0001>

<sc_bundles>
// kernel: kernel.3.cloned.1.call-start
scs
__scs_entry_jumppad:
0x0: {  	(pc) =	sbr.rel $0x88, $3  }
0x1: {  	(tag) =	ssettag $0x0;
	lr =	simm.s32 $0x1  }
0x2: {  	[smem:$0x3FA0] =	sst lr;
	_ =	strace $0xD0000000  }
0x3: {  	_ = 	snop  }
0x4: {  	_ = 	snop  }
0x5: {  	_ = 	snop  }
0x6: {  	_ = 	snop  }
0x7: {  	_ = 	snop  }
__scs_overlays_trampoline_lowered:
0x8: {  	[smem:$0x3FAF] =	sst s0  }
0x9: {  	[smem:$0x3FB0] =	sst s1  }
0xa: {  	[smem:$0x3FB1] =	sst s2  }
0xb: {  	[smem:$0x3FB2] =	sst s3  }
0xc: {  	[smem:$0x3FB3] =	sst s4  }
0xd: {  	[smem:$0x3FB4] =	sst s5  }
0xe: {  	[smem:$0x3FB5] =	sst s6  }
0xf: {  	[smem:$0x3FB6] =	sst s7  }
0x10: {  	[smem:$0x3FB7] =	sst s8  }
0x11: {  	[smem:$0x3FB8] =	sst s9;
	s0 =	simm.s32 @!p0 $0x0  }
0x12: {  	s1 =	sld [smem:$0x3F9E];
	s0 =	simm.s32 @p0 $0x1  }
0x13: {  	[smem:$0x3FB9] =	sst s0;
	s0 =	simm.s32 @!p1 $0x0  }
0x14: {  	s2 =	sld [smem:$0x3F9D];
	s0 =	simm.s32 @p1 $0x1  }
0x15: {  	[smem:$0x3FBA] =	sst s0;
	s0 =	simm.s32 @!p2 $0x0  }
0x16: {  	s3 =	sld [smem:$0x3FDB];
	s0 =	simm.s32 @p2 $0x1  }
0x17: {  	s4 =	simm.s32 $0x1BF5;
	[smem:$0x3FBC] =	sst s0  }
0x18: {  	s0 =	sld [smem:$0x3F9F];
	_ =	swait.ge [sflag:s4], $0x0  }
0x19: {  	s7 =	sld [smem:$0x3FA0]  }
0x1a: {  	s8 =	sadd.s32 $0xFFFFE003, lr  }
0x1b: {  	s9 =	sadd.s32 $0xFFFFFEF7, lr;
	s5 =	simm.s32 $0xFFFFFFFF;
	p2 =	slt.u32 s8, $0xFFFFF086  }
0x1c: {  	p1 =	slt.u32 s9, $0xF7A;
	s5 =	simm.s32 @!p2 $0x0  }
0x1d: {  	s5 =	simm.s32 @p1 $0x1;
	p0 =	seq.s32 s7, s2  }
0x1e: {  	s7 =	smul.u32 @!p0 $0xF7A, s2;
	p2 =	seq.s32 @!p0 s5, $0x0  }
0x1f: {  	s9 =	smul.u32 $0xF7A, s1;
	s8 =	simm.s32 @!p0 $0x1BF5;
	p2 =	por !p2, p0  }
0x20: {  	[sflag:s8] =	ssyncset.s32 @!p0 $0xFFFFF086;
	s6 =	sadd.s32 @!p0 s3, s7;
	s7 =	simm.s32 @!p0 $0x108  }
0x21: {  	s3 =	sadd.s32 s3, s9;
	s6 =	sadd.s32 @!p0 $0x88, s6;
	s7 =	simm.s32 @p2 $0x1082  }
0x22: {  	[simem:s7], [sflag:s8] =	dma.local @!p0 [hbm:s6], $0xF7A  }
0x23: {  	s9 =	sor.u32 $0xD0000000, s2;
	s6 =	simm.s32 $0x108;
	_ =	swait.ge @!p0 [sflag:s8], $0x0  }
0x24: {  	s3 =	sadd.s32 $0x88, s3;
	s6 =	simm.s32 @!p1 $0x1082;
	[sflag:s4] =	ssyncset.s32 $0xFFFFF086  }
0x25: {  	[simem:s6], [sflag:s4] =	dma.local [hbm:s3], $0xF7A  }
0x26: {  	[smem:$0x3FA0] =	sst s1;
	(tag) =	ssettag s2;
	_ =	strace s9  }
0x27: {  	s1 =	sld [smem:$0x3FB0]  }
0x28: {  	s2 =	sld [smem:$0x3FB1]  }
0x29: {  	s4 =	sld [smem:$0x3FB3]  }
0x2a: {  	p0 =	seq.s32 s5, $0x0;
	s5 =	sld [smem:$0x3FB4]  }
0x2b: {  	s6 =	sld [smem:$0x3FB5]  }
0x2c: {  	s7 =	sld [smem:$0x3FB6]  }
0x2d: {  	s3 =	simm.s32 $0x108;
	s8 =	sld [smem:$0x3FB7]  }
0x2e: {  	s3 =	simm.s32 @!p0 $0x1082;
	s9 =	sld [smem:$0x3FB8]  }
0x2f: {  	lr =	sadd.s32 s0, s3;
	s0 =	sld [smem:$0x3FAF]  }
0x30: {  	s3 =	sld [smem:$0x3FB2]  }
0x31: {  	[smem:$0x3FBB] =	sst s10  }
0x32: {  	s10 =	sld [smem:$0x3FB9];
	_ =	sdelay $0x3  }
0x33: {  	p0 =	seq.s32 s10, $0x1;
	s10 =	sld [smem:$0x3FBB];
	_ =	sdelay $0x3  }
0x34: {  	[smem:$0x3FBB] =	sst s10  }
0x35: {  	s10 =	sld [smem:$0x3FBA];
	_ =	sdelay $0x3  }
0x36: {  	p1 =	seq.s32 s10, $0x1;
	s10 =	sld [smem:$0x3FBB];
	_ =	sdelay $0x3  }
0x37: {  	[smem:$0x3FBB] =	sst s10  }
0x38: {  	s10 =	sld [smem:$0x3FBC]  }
0x39: {  	_ = 	snop;
	(pc) =	sbr.ind lr, $3  }
0x3a: {  	_ = 	snop  }
0x3b: {  	_ = 	snop  }
0x3c: {  	p2 =	seq.s32 s10, $0x1;
	s10 =	sld [smem:$0x3FBB]  }
0x3d: {  	_ =	shalt  }
0x3e: {  	_ =	shalt  }
0x3f: {  	_ =	shalt  }
0x40: {  	_ =	shalt  }
0x41: {  	_ =	shalt  }
0x42: {  	_ =	shalt  }
0x43: {  	_ =	shalt  }
0x44: {  	_ =	shalt  }
0x45: {  	_ =	shalt  }
0x46: {  	_ =	shalt  }
0x47: {  	_ =	shalt  }
0x48: {  	_ =	shalt  }
0x49: {  	_ =	shalt  }
0x4a: {  	_ =	shalt  }
0x4b: {  	_ =	shalt  }
0x4c: {  	_ =	shalt  }
0x4d: {  	_ =	shalt  }
0x4e: {  	_ =	shalt  }
0x4f: {  	_ =	shalt  }
0x50: {  	_ =	shalt  }
0x51: {  	_ =	shalt  }
0x52: {  	_ =	shalt  }
0x53: {  	_ =	shalt  }
0x54: {  	_ =	shalt  }
0x55: {  	_ =	shalt  }
0x56: {  	_ =	shalt  }
0x57: {  	_ =	shalt  }
0x58: {  	_ =	shalt  }
0x59: {  	_ =	shalt  }
0x5a: {  	_ =	shalt  }
0x5b: {  	_ =	shalt  }
0x5c: {  	_ =	shalt  }
0x5d: {  	_ =	shalt  }
0x5e: {  	_ =	shalt  }
0x5f: {  	_ =	shalt  }
0x60: {  	_ =	shalt  }
0x61: {  	_ =	shalt  }
0x62: {  	_ =	shalt  }
0x63: {  	_ =	shalt  }
0x64: {  	_ =	shalt  }
0x65: {  	_ =	shalt  }
0x66: {  	_ =	shalt  }
0x67: {  	_ =	shalt  }
0x68: {  	_ =	shalt  }
0x69: {  	_ =	shalt  }
0x6a: {  	_ =	shalt  }
0x6b: {  	_ =	shalt  }
0x6c: {  	_ =	shalt  }
0x6d: {  	_ =	shalt  }
0x6e: {  	_ =	shalt  }
0x6f: {  	_ =	shalt  }
0x70: {  	_ =	shalt  }
0x71: {  	_ =	shalt  }
0x72: {  	_ =	shalt  }
0x73: {  	_ =	shalt  }
0x74: {  	_ =	shalt  }
0x75: {  	_ =	shalt  }
0x76: {  	_ =	shalt  }
0x77: {  	_ =	shalt  }
0x78: {  	_ =	shalt  }
0x79: {  	_ =	shalt  }
0x7a: {  	_ =	shalt  }
0x7b: {  	_ =	shalt  }
0x7c: {  	_ =	shalt  }
0x7d: {  	_ =	shalt  }
0x7e: {  	_ =	shalt  }
0x7f: {  	_ =	shalt  }
0x80: {  	_ =	shalt  }
0x81: {  	_ =	shalt  }
0x82: {  	_ =	shalt  }
0x83: {  	_ =	shalt  }
0x84: {  	_ =	shalt  }
0x85: {  	_ =	shalt  }
0x86: {  	_ =	shalt  }
0x87: {  	_ =	shalt  }
.Lfunc_end0:
.L_simem_size_0:
called_computation_lowered:
.L_overlay_start_0:
0x88: {  	s0 =	sld [smem:$0x3FD9]  }
0x89: {  	s1 =	sld [smem:$0x3FFE];
	_ =	sdelay $0x3  }
0x8a: {  	s0 =	sadd.s32 s1, s0  }
0x8b: {  	[smem:$0x3FC7] =	sst s0  }
0x8c: {  	_ = 	snop  }
0x8d: {  	s0 =	sld [smem:$0x3FC9]  }
0x8e: {  	s17 =	sld [smem:$0x3FD0];
	(tm) =	ssettm $0x1  }
0x8f: {  	s2 =	sld [smem:$0x3FFB];
	_ =	sdelay $0x3  }
0x90: {  	_ =	strace s2  }
0x91: {  	s2 =	sld [smem:$0x3FFC];
	_ =	sdelay $0x3  }
0x92: {  	_ =	strace s2  }
0x93: {  	s2 =	sld [smem:$0x3FFD];
	_ =	sdelay $0x3  }
0x94: {  	_ =	strace s2  }
0x95: {  	_ =	strace $0x8FFFFFFF  }
0x96: {  	s18 =	sld [smem:$0x3FDB];
	_ =	sdelay $0x1  }
0x97: {  	s3 =	simm.s32 $_scs_section_size  }
0x98: {  	s4 =	simm.s32 $_size__tile_overlayer_lowered;
	s5 =	simm.s32 $_tile_overlayer_lowered  }
0x99: {  	s21 =	simm.s32 $0x1BFF;
	s20 =	sshll.u32 s5, $0x1;
	s2 =	sadd.s32 s3, s18  }
0x9a: {  	s6 =	simm.s32 $0x0;
	s19 =	sshll.u32 s4, $0x1;
	s4 =	sadd.s32 s20, s2  }
0x9b: {  	[timem:s6], [sflag:s21] =	dma.local [hbm:s4], s19  }
0x9c: {  	_ =	swait.ge [sflag:s21], s19  }
0x9d: {  	s3 =	ssub.s32 $0x0, s19;
	[sflag:s21] =	ssyncset.done $0x0  }
0x9e: {  	[sflag:s21] =	ssyncadd.s32 s3;
	_ =	sdelay $0x1  }
0x9f: {  	s22 =	simm.s32 $0x1B8B  }
0xa0: {  	_ =	swait.ge [sflag:s22], $0x1  }
0xa1: {  	[sflag:s22] =	ssyncset.done $0x0  }
0xa2: {  	s23 =	simm.s32 $0x1B8E;
	[sflag:s22] =	ssyncadd.s32 $0xFFFFFFFF  }
0xa3: {  	s24 =	simm.s32 $execute0_lowered;
	[smem:$0x3FD2] =	sst s23  }
0xa4: {  	s3 =	sshll.u32 s24, $0x1;
	_ =	strace $0x80000046;
	[dreg:$0x1] =	wrdreg $0xFFFFFFFF  }
0xa5: {  	s25 =	simm.s32 $_size_execute0_lowered;
	s2 =	sadd.s32 s2, s3;
	[dreg:$0x0] =	wrdreg $0x0  }
0xa6: {  	s3 =	sshll.u32 s25, $0x1;
	[dreg:$0x2] =	wrdreg s2  }
0xa7: {  	[dreg:$0x3] =	wrdreg s3  }
0xa8: {  	[dreg:$0x4] =	wrdreg $0xC0  }
0xa9: {  	_ =	task [dreg:s6], $0x5FFFF  }
0xaa: {  	[dreg:$0x1] =	wrdreg $0xFFFFFFFF  }
0xab: {  	[dreg:$0x0] =	wrdreg $0x60  }
0xac: {  	[dreg:$0x2] =	wrdreg s0  }
0xad: {  	[dreg:$0x3] =	wrdreg s17  }
0xae: {  	[dreg:$0x4] =	wrdreg $0x9  }
0xaf: {  	_ =	task.clear_ibuf [dreg:s6], $0x5FFFF;
	_ =	strace $0x90000046  }
0xb0: {  	s26 =	simm.s32 $0x9;
	_ =	strace $0x80000048  }
0xb1: {  	_ =	swait.ge [sflag:s26], $0x1  }
0xb2: {  	[sflag:s26] =	ssyncadd.s32 $0xFFFFFFFF  }
0xb3: {  	_ =	strace $0x90000048  }
0xb4: {  	_ =	sfence  }
0xb5: {  	s28 =	sld [smem:$0x0];
	_ =	sdelay $0x1  }
0xb6: {  	s29 =	srdreg.scid  }
0xb7: {  	s30 =	sshll.u32 s29, $0xD;
	s31 =	sshrl.u32 s29, $0x2  }
0xb8: {  	s1 =	sand.u32 $0x1, s29;
	s2 =	sand.u32 $0x4000, s30;
	s0 =	sadd.s32 s31, s28  }
0xb9: {  	s1 =	sor.u32 s2, s1;
	s0 =	sshll.u32 s0, $0x11  }
0xba: {  	s0 =	sor.u32 s0, s1  }
0xbb: {  	s0 =	sadd.s32 $0x8F2B, s0  }
0xbc: {  	[sflag:s0] =	ssyncadd.remote.s32 $0x1  }
0xbd: {  	_ =	sfence.sel $0xFFFF  }
0xbe: {  	[dreg:$0x0] =	wrdreg $0xFFFFFFFF;
	(pc) =	sbr.abs _section_cstart, $3  }
0xbf: {  	[dreg:$0x1] =	wrdreg $0xFFFFFFFF  }
0xc0: {  	_ =	task.clear_ibuf [dreg:s6], $0x2FFFF;
	_ =	strace $0x9FFFFFFF  }
0xc1: {  	(tm) =	ssettm $0x7FFFFFFF  }
tec
execute0_lowered:
.L_overlay_start_1:
0x0: {  	(tag) =	ssettag $0x1  }
0x1: {  	s3 =	stileid.u32  }
0x2: {  	p0 =	sne.s32 s3, $0x0  }
.Ltmp0:
0x3: {  	_ = 	snop;
	(pc) =	sbr.rel @p0 .LBB2_2-.Ltmp0, $4  }
0x4: {  	_ = 	snop  }
0x5: {  	s2 =	rddreg [dreg:$0x0]  }
0x6: {  	s1 =	rddreg [dreg:$0x1]  }
0x7: {  	s0 =	rddreg [dreg:$0x2];
	_ =	strace $0x80000047  }
0x8: {  	s3 =	simm.s32 $0x0;
	s29 =	simm.s32 $0x1  }
0x9: {  	[tilespmem:s3], [sflag:$0x1] =	stream.linear.gather [hbm4b:s2+s3], $0x80, $0x38;
	[tilespmem:$0x100] =	vst v63  }
0xa: {  	_ =	swait.ge [sflag:s29], $0x80  }
0xb: {  	[sflag:s29] =	ssyncset.done $0x0  }
0xc: {  	[sflag:s29] =	ssyncadd.s32 $0xFFFFFF80  }
0xd: {  	v0 =	vld [tilespmem:$0x0]  }
0xe: {  	v1 =	vld [tilespmem:$0x10]  }
0xf: {  	v2 =	vld [tilespmem:$0x20]  }
0x10: {  	v3 =	vld [tilespmem:$0x30];
	_ =	sdelay $0x4  }
0x11: {  	v4 =	vmax.f32 v0, v1;
	v5 =	vmax.f32 v2, v3  }
0x12: {  	v4 =	vmax.f32 v4, v5  }
0x13: {  	(xrf0) =	vmax.scan.msk.f32 $0xffff, v4;
	_ =	sdelay $0x5  }
0x14: {  	v4, _, _ =	vpop (xrf0)  }
0x15: {  	v4 =	vbroadcast v4, $0xF;
	_ =	sdelay $0x1  }
0x16: {  	v39 =	vsub.f32 v0, v4  }
0x17: {  	v6 =	vsub.f32 v1, v4  }
0x18: {  	v5 =	vmul.f32 $1.442695020e+00, v39  }
0x19: {  	v7 =	vsub.f32 v2, v4;
	v6 =	vmul.f32 $1.442695020e+00, v6  }
0x1a: {  	(erf) = vpow2.f32 v5  }
0x1b: {  	v41 =	vsub.f32 v3, v4;
	v40 =	vmul.f32 $1.442695020e+00, v7;
	(erf) = vpow2.f32 v6;
	_ =	sdelay $0x1  }
0x1c: {  	v42 =	vmul.f32 $1.442695020e+00, v41;
	(erf) = vpow2.f32 v40;
	_ =	sdelay $0x1  }
0x1d: {  	(erf) = vpow2.f32 v42;
	_ =	sdelay $0x3  }
0x1e: {  	v43 =	vpop (erf)  }
0x1f: {  	v44 =	vpop (erf)  }
0x20: {  	v5 =	vadd.f32 v44, v43  }
0x21: {  	v45 =	vpop (erf)  }
0x22: {  	v5 =	vadd.f32 v5, v45  }
0x23: {  	v46 =	vpop (erf)  }
0x24: {  	v5 =	vadd.f32 v5, v46;
	_ =	sdelay $0x1  }
0x25: {  	(xrf2) =	vadd.scan.msk.f32 $0xffff, v5;
	_ =	sdelay $0x9  }
0x26: {  	v5, _, _ =	vpop (xrf2)  }
0x27: {  	(v2sf) =	vpush v5, $0xF  }
0x28: {  	v47 =	vlaneseq.u32  }
0x29: {  	v48 =	vor.u32 $0x80000030, v47;
	vm0 =	veq.f32 v3, v4  }
0x2a: {  	v50 =	vor.u32 $0x80000020, v47;
	vm1 =	veq.f32 v2, v4;
	v49 =	vnsel vm0, $0x80000040, v48  }
0x2b: {  	v52 =	vor.u32 $0x80000010, v47;
	vm10 =	veq.f32 v1, v4;
	v51 =	vsel vm1, v50, v49  }
0x2c: {  	v54 =	vor.u32 $0x80000000, v47;
	vm11 =	veq.f32 v0, v4;
	v53 =	vsel vm10, v52, v51  }
0x2d: {  	v0 =	vsel vm11, v54, v53  }
0x2e: {  	(xrf0) =	vmin.scan.msk.u32 $0xffff, v0;
	_ =	sdelay $0x5  }
0x2f: {  	v0, _, _ =	vpop (xrf0)  }
0x30: {  	(v2sf) =	vpush v0, $0xF  }
0x31: {  	s4 =	spop (v2sf)  }
0x32: {  	s4 =	smul.f32 $1.000000010e-10, s4;
	_ =	sdelay $0x1  }
0x33: {  	v55 =	vmov s4  }
0x34: {  	v0 =	vadd.f32 $1.000000000e+00, v55;
	_ =	sdelay $0x1  }
0x35: {  	v0 =	vbroadcast v0, $0x0;
	_ =	sdelay $0x1  }
0x36: {  	(erf) = vrcp.f32 v0;
	_ =	sdelay $0x5  }
0x37: {  	s30 =	spop (v2sf)  }
0x38: {  	s4 =	sxor.u32 $0x80000000, s30  }
0x39: {  	v56 =	vmov s4  }
0x3a: {  	v58 =	vor.u32 $0x10, v47;
	vm12 =	veq.s32 v56, v47;
	v57 =	vpop (erf)  }
0x3b: {  	v60 =	vor.u32 $0x20, v47;
	vm13 =	veq.s32 v56, v58;
	v59 =	vnsel vm12, $0x0, v57  }
0x3c: {  	v62 =	vor.u32 $0x30, v47;
	vm14 =	veq.s32 v56, v60;
	v61 =	vnsel vm13, $0x0, v57;
	[tilespmem:$0x80] =	vst v59  }
0x3d: {  	vm15 =	veq.s32 v56, v62;
	v63 =	vnsel vm14, $0x0, v57;
	[tilespmem:$0x90] =	vst v61  }
0x3e: {  	v0 =	vnsel vm15, $0x0, v57;
	[tilespmem:$0xA0] =	vst v63  }
0x3f: {  	s31 =	simm.s32 $0x80;
	[tilespmem:$0xB0] =	vst v0  }
0x40: {  	[hbm4b:s1+s3] =	stream.linear.scatter [tilespmem:s31], [sflag:$0x1], $0x80, $0x38;
	[tilespmem:$0x100] =	vst v63  }
0x41: {  	_ =	swait.ge [sflag:s29], $0x80  }
0x42: {  	[sflag:s29] =	ssyncset.done $0x0  }
0x43: {  	[sflag:s29] =	ssyncadd.s32 $0xFFFFFF80  }
.LBB2_2:
0x44: {  	_ =	sfence.sel $0x180000  }
0x45: {  	[bflag:$0x0] =	sbarrier.arrive $0xFFFF  }
0x46: {  	_ =	strace $0x90000047  }
0x47: {  	s0 =	sadd.s32 @!p0 $0x100000, s0;
	[bflag:$0x2] =	sbarrier.arrive $0xFFFF  }
0x48: {  	[sflag:s0] =	ssyncadd.tile.s32 @!p0 $0x1;
	_ =	shalt  }
.Lfunc_end2:
_tile_overlayer_lowered:
.L_overlay_start_2:
0x49: {  	(tag) =	ssettag $0x2  }
0x4a: {  	s0 =	rddreg [dreg:$0x0];
	s2 =	stileid.u32  }
0x4b: {  	s1 =	rddreg [dreg:$0x1];
	p0 =	sne.s32 s2, $0x0  }
0x4c: {  	s3 =	rddreg [dreg:$0x2];
	[bflag:$0x3] =	sbarrier.arrive $0xFFFF;
	s2 =	simm.s32 @!p0 $0x1C01  }
0x4d: {  	[timem:s3], [sflag:s2] =	dma.local @!p0 [hbm:s0], s1  }
0x4e: {  	s0 =	simm.s32 @!p0 $0x1  }
0x4f: {  	_ =	swait.ge @!p0 [sflag:s0], s1  }
0x50: {  	s1 =	ssub.s32 @!p0 $0x0, s1;
	[sflag:s0] =	ssyncset.done @!p0 $0x0  }
0x51: {  	[sflag:s0] =	ssyncadd.s32 @!p0 s1  }
0x52: {  	[bflag:$0x3] =	sbarrier.arrive $0xFFFF  }
0x53: {  	_ =	shalt  }

</sc_bundles>
